<compile_context>
chip_gen: v7x
topology: tpu7x:2x2x1
jax: 0.10.2.dev20260603
libtpu: 0.0.44.dev20260713+nightly
codegen_flags: <defaults>
</compile_context>

<pallas_src>
import functools

import jax
import jax.numpy as jnp
from jax import lax
from jax.experimental import pallas as pl
from jax.experimental.pallas import tpu as pltpu
from jax.experimental.pallas import tpu_sc as plsc

_NCAND = 2
_B1 = 1024
_B2 = 2048


def _stage1_body(x_ref, w_ref, idx_ref, waug_ref):
    xb = x_ref[...]
    k = w_ref.shape[0]

    @pl.when(pl.program_id(0) == 0)
    def _():
        w = w_ref[...]
        wsq = jnp.sum(w * w, axis=1, keepdims=True)
        waug_ref[...] = jnp.concatenate([w, wsq], axis=1)

    ones = jnp.ones((xb.shape[0], 1), jnp.float32)
    xaug = jnp.concatenate([-2.0 * xb, ones], axis=1)
    s = lax.dot_general(xaug, waug_ref[...], (((1,), (1,)), ((), ())),
                        preferred_element_type=jnp.float32,
                        precision=lax.Precision.HIGHEST)
    iota = lax.broadcasted_iota(jnp.int32, s.shape, 1)
    cands = []
    for _ in range(_NCAND):
        m = jnp.min(s, axis=1, keepdims=True)
        it = jnp.min(jnp.where(s == m, iota, k), axis=1, keepdims=True)
        cands.append(it)
        s = jnp.where(iota == it, jnp.inf, s)
    idx_ref[...] = jnp.concatenate(cands, axis=1)


def _candidate_indices(x, weight):
    b, d = x.shape
    k = weight.shape[0]
    nblk = b // _B1
    return pl.pallas_call(
        _stage1_body,
        grid=(nblk,),
        in_specs=[
            pl.BlockSpec((_B1, d), lambda i: (i, 0)),
            pl.BlockSpec((k, d), lambda i: (0, 0)),
        ],
        out_specs=pl.BlockSpec((_B1, _NCAND), lambda i: (i, 0)),
        out_shape=jax.ShapeDtypeStruct((b, _NCAND), jnp.int32),
        scratch_shapes=[pltpu.VMEM((k, d + 1), jnp.float32)],
    )(x, weight)


def _gather_rows(weight, idx):
    n = idx.shape[0]
    _, d = weight.shape
    info = plsc.get_sparse_core_info()
    nc, ns = info.num_cores, info.num_subcores
    nw = nc * ns
    n_per_w = n // nw
    mesh = plsc.VectorSubcoreMesh(core_axis_name="c", subcore_axis_name="s")

    @functools.partial(
        pl.kernel,
        out_type=jax.ShapeDtypeStruct((n, d), jnp.float32),
        mesh=mesh,
        compiler_params=pltpu.CompilerParams(use_tc_tiling_on_sc=False),
        scratch_types=[
            pltpu.VMEM((n_per_w,), jnp.int32),
            pltpu.VMEM((n_per_w, d), jnp.float32),
            pltpu.SemaphoreType.DMA,
        ],
    )
    def gather_kernel(table_hbm, idx_hbm, out_hbm, idx_v, rows_v, sem):
        wid = lax.axis_index("s") * nc + lax.axis_index("c")
        base = wid * n_per_w
        pltpu.sync_copy(idx_hbm.at[pl.ds(base, n_per_w)], idx_v)
        pltpu.async_copy(table_hbm.at[idx_v], rows_v, sem).wait()
        pltpu.sync_copy(rows_v, out_hbm.at[pl.ds(base, n_per_w)])

    return gather_kernel(weight, idx)


def _stage2_body(x_ref, rows_ref, idx_ref, out_ref):
    xb = x_ref[...]
    cidx = idx_ref[...]
    k_big = jnp.int32(1 << 20)
    rows = []
    dists = []
    for t in range(_NCAND):
        rt = rows_ref[t]
        diff = xb - rt
        dists.append(jnp.sqrt(jnp.sum(diff * diff, axis=-1, keepdims=True)))
        rows.append(rt)
    dist = jnp.concatenate(dists, axis=1)
    best = jnp.min(dist, axis=1, keepdims=True)
    bidx = jnp.min(jnp.where(dist == best, cidx, k_big), axis=1,
                   keepdims=True)
    acc = jnp.zeros_like(xb)
    for t in range(_NCAND):
        m = cidx[:, t:t + 1] == bidx
        acc = acc + jnp.where(m, rows[t], 0.0)
    out_ref[...] = xb + acc - xb


def _rerank(x, cand_rows, cand_idx):
    b, d = x.shape
    nblk = b // _B2
    return pl.pallas_call(
        _stage2_body,
        grid=(nblk,),
        in_specs=[
            pl.BlockSpec((_B2, d), lambda i: (i, 0)),
            pl.BlockSpec((_NCAND, _B2, d), lambda i: (0, i, 0)),
            pl.BlockSpec((_B2, _NCAND), lambda i: (i, 0)),
        ],
        out_specs=pl.BlockSpec((_B2, d), lambda i: (i, 0)),
        out_shape=jax.ShapeDtypeStruct((b, d), jnp.float32),
    )(x, cand_rows, cand_idx)


def kernel(x, weight):
    b, d = x.shape
    cand_idx = _candidate_indices(x, weight)
    cand_rows = _gather_rows(weight, cand_idx.T.reshape(-1))
    return _rerank(x, cand_rows.reshape(_NCAND, b, d), cand_idx)

# --- scband reference (transcript-rebuilt; emitter-appended) ---
"""Pipeline reference for scband-codebook-83038897701457 (READ-ONLY COPY).

The authoritative reference and input builder live on the scoring server;
editing this copy changes nothing except your own understanding.
"""

import jax, jax.numpy as jnp
import numpy as np


def setup_inputs(seed: int = 0) -> dict:
    key = jax.random.key(seed)
    k1, k2 = jax.random.split(key)
    x = jax.random.normal(k1, (2048, 64), dtype=jnp.float32)
    weight = jax.random.normal(k2, (1024, 64), dtype=jnp.float32)
    return {"x": x, "weight": weight}


def reference(x, weight):
    # x: [B, D], weight: [K, D]
    K = weight.shape[0]
    # pairwise L2 distances via broadcast (faithful to torch.norm(x.unsqueeze(1) - W, dim=2))
    diff = x[:, None, :] - weight[None, :, :]          # [B, K, D]
    dist = jnp.linalg.norm(diff, axis=2)               # [B, K]
    indices = jnp.argmin(dist, axis=1)                 # [B]
    # one-hot encode (equivalent to scatter_ of ones into zeros)
    ohe = jax.nn.one_hot(indices, K, dtype=x.dtype)    # [B, K]
    # quantized output: weighted sum over codebook rows
    out = (ohe[:, :, None] * weight[None, :, :]).sum(axis=1)  # [B, D]
    # straight-through estimator: x + out - x.detach()
    out = x + out - jax.lax.stop_gradient(x)
    return out

if __name__ == "__main__":
    import jax
    _d = setup_inputs()
    print(jax.jit(kernel)(*tuple(_d.values())))

</pallas_src>

<mosaic_0001>
#map = affine_map<(d0, d1) -> (0, 0)>
#map1 = affine_map<(d0, d1) -> (0)>
module attributes {stable_mosaic.version = 14 : i64} {
  func.func @gather_kernel(%arg0: i32, %arg1: i32, %arg2: memref<1024x64xf32, #tpu.memory_space<hbm>>, %arg3: memref<4096xi32, #tpu.memory_space<hbm>>, %arg4: memref<4096x64xf32, #tpu.memory_space<hbm>>, %arg5: memref<128xi32, #tpu.memory_space<vmem>>, %arg6: memref<128x64xf32, #tpu.memory_space<vmem>>, %arg7: memref<!tpu.dma_semaphore, #tpu.memory_space<semaphore_mem>>) attributes {dimension_semantics = [#tpu.dimension_semantics<core_parallel>, #tpu.dimension_semantics<subcore_parallel>], iteration_bounds = array<i64: 2, 16>, scalar_prefetch = 0 : i64, scratch_operands = 3 : i64, tpu.core_type = #tpu.core_type<sc_vector_subcore>, window_params = [{transform_indices = #map}, {transform_indices = #map1}, {transform_indices = #map}]} {
    %mul3A = arith.constant 2 : i32
    %mul3A_0 = arith.muli %arg1, %mul3A : i32
    %add3A = arith.addi %mul3A_0, %arg0 : i32
    %mul3A_1 = arith.constant 128 : i32
    %mul3A_2 = arith.muli %add3A, %mul3A_1 : i32
    "tpu.region"() ({
      %run_scoped3A = tpu.sem_alloc : memref<!tpu.dma_semaphore, #tpu.memory_space<semaphore_mem>>
      %dma_start3A_7 = tpu.memref_slice %arg3[%mul3A_2] : memref<4096xi32, #tpu.memory_space<hbm>> -> memref<128xi32, #tpu.memory_space<hbm>>
      %dma_start3A_8 = tpu.memref_slice %arg3[%mul3A_2] : memref<4096xi32, #tpu.memory_space<hbm>> -> memref<128xi32, #tpu.memory_space<hbm>>
      tpu.enqueue_dma source(%dma_start3A_8 : memref<128xi32, #tpu.memory_space<hbm>>) target(%arg5 : memref<128xi32, #tpu.memory_space<vmem>>) target_semaphore(%run_scoped3A : memref<!tpu.dma_semaphore, #tpu.memory_space<semaphore_mem>>)
      %dma_wait3A_9 = tpu.memref_slice %arg3[%mul3A_2] : memref<4096xi32, #tpu.memory_space<hbm>> -> memref<128xi32, #tpu.memory_space<hbm>>
      %dma_wait3A_10 = tpu.memref_slice %arg3[%mul3A_2] : memref<4096xi32, #tpu.memory_space<hbm>> -> memref<128xi32, #tpu.memory_space<hbm>>
      tpu.wait_dma2 semaphore(%run_scoped3A : memref<!tpu.dma_semaphore, #tpu.memory_space<semaphore_mem>>) src(%dma_wait3A_10 : memref<128xi32, #tpu.memory_space<hbm>>) dst(%arg5 : memref<128xi32, #tpu.memory_space<vmem>>)
      tpu.yield
    }) : () -> ()
    %dma_start3A = arith.constant 0 : i32
    %dma_start3A_3 = arith.constant 0 : i32
    %dma_start3A_4 = tpu.memref_slice %arg2[%dma_start3A, %dma_start3A_3] : memref<1024x64xf32, #tpu.memory_space<hbm>> -> memref<1024x64xf32, #tpu.memory_space<hbm>>
    tpu.enqueue_indirect_dma source(%dma_start3A_4 : memref<1024x64xf32, #tpu.memory_space<hbm>>) target(%arg6 : memref<128x64xf32, #tpu.memory_space<vmem>>) offsets(%arg5 : memref<128xi32, #tpu.memory_space<vmem>>) semaphore(%arg7 : memref<!tpu.dma_semaphore, #tpu.memory_space<semaphore_mem>>)
    %dma_wait3A = arith.constant 0 : i32
    %dma_wait3A_5 = arith.constant 0 : i32
    %dma_wait3A_6 = tpu.memref_slice %arg2[%dma_wait3A, %dma_wait3A_5] : memref<1024x64xf32, #tpu.memory_space<hbm>> -> memref<1024x64xf32, #tpu.memory_space<hbm>>
    tpu.wait_indirect_dma semaphore(%arg7 : memref<!tpu.dma_semaphore, #tpu.memory_space<semaphore_mem>>) src(%dma_wait3A_6 : memref<1024x64xf32, #tpu.memory_space<hbm>>) dst(%arg6 : memref<128x64xf32, #tpu.memory_space<vmem>>)
    "tpu.region"() ({
      %run_scoped3A = tpu.sem_alloc : memref<!tpu.dma_semaphore, #tpu.memory_space<semaphore_mem>>
      %dma_start3A_7 = arith.constant 0 : i32
      %dma_start3A_8 = tpu.memref_slice %arg4[%mul3A_2, %dma_start3A_7] : memref<4096x64xf32, #tpu.memory_space<hbm>> -> memref<128x64xf32, #tpu.memory_space<hbm>>
      %dma_start3A_9 = arith.constant 0 : i32
      %dma_start3A_10 = tpu.memref_slice %arg4[%mul3A_2, %dma_start3A_9] : memref<4096x64xf32, #tpu.memory_space<hbm>> -> memref<128x64xf32, #tpu.memory_space<hbm>>
      tpu.enqueue_dma source(%arg6 : memref<128x64xf32, #tpu.memory_space<vmem>>) target(%dma_start3A_10 : memref<128x64xf32, #tpu.memory_space<hbm>>) target_semaphore(%run_scoped3A : memref<!tpu.dma_semaphore, #tpu.memory_space<semaphore_mem>>)
      %dma_wait3A_11 = arith.constant 0 : i32
      %dma_wait3A_12 = tpu.memref_slice %arg4[%mul3A_2, %dma_wait3A_11] : memref<4096x64xf32, #tpu.memory_space<hbm>> -> memref<128x64xf32, #tpu.memory_space<hbm>>
      %dma_wait3A_13 = arith.constant 0 : i32
      %dma_wait3A_14 = tpu.memref_slice %arg4[%mul3A_2, %dma_wait3A_13] : memref<4096x64xf32, #tpu.memory_space<hbm>> -> memref<128x64xf32, #tpu.memory_space<hbm>>
      tpu.wait_dma2 semaphore(%run_scoped3A : memref<!tpu.dma_semaphore, #tpu.memory_space<semaphore_mem>>) src(%arg6 : memref<128x64xf32, #tpu.memory_space<vmem>>) dst(%dma_wait3A_14 : memref<128x64xf32, #tpu.memory_space<hbm>>)
      tpu.yield
    }) : () -> ()
    return
  }
}

module attributes {stable_mosaic.version = 14 : i64} {
  func.func @_stage1_body(%arg0: i32, %arg1: memref<1024x64xf32, #tpu.memory_space<vmem>>, %arg2: memref<1024x64xf32, #tpu.memory_space<vmem>>, %arg3: memref<1024x2xi32, #tpu.memory_space<vmem>>, %arg4: memref<1024x65xf32, #tpu.memory_space<vmem>>) attributes {dimension_semantics = [#tpu.dimension_semantics<arbitrary>], iteration_bounds = array<i64: 2>, scalar_prefetch = 0 : i64, scratch_operands = 1 : i64, tpu.core_type = #tpu.core_type<tc>, window_params = [{transform_indices = @transform_0, window_bounds = array<i64: 1024, 64>}, {pipeline_mode = #tpu.pipeline_mode<synchronous>, transform_indices = @transform_1, window_bounds = array<i64: 1024, 64>}, {transform_indices = @transform_2, window_bounds = array<i64: 1024, 2>}]} {
    %get3A = arith.constant 0 : index
    %get3A_0 = arith.constant 0 : index
    %get3A_1 = vector.load %arg1[%get3A, %get3A_0] : memref<1024x64xf32, #tpu.memory_space<vmem>>, vector<1024x64xf32>
    %eq3A = arith.constant 0 : i32
    %eq3A_2 = arith.cmpi eq, %arg0, %eq3A : i32
    %convert_element_type3A = arith.extui %eq3A_2 : i1 to i32
    %cond3A = arith.constant 0 : i32
    %cond3A_3 = arith.cmpi ne, %convert_element_type3A, %cond3A : i32
    scf.if %cond3A_3 {
      %get3A_38 = arith.constant 0 : index
      %get3A_39 = arith.constant 0 : index
      %get3A_40 = vector.load %arg2[%get3A_38, %get3A_39] : memref<1024x64xf32, #tpu.memory_space<vmem>>, vector<1024x64xf32>
      %mul3A_41 = arith.mulf %get3A_40, %get3A_40 : vector<1024x64xf32>
      %reduce_sum3A = arith.constant dense<0.000000e+00> : vector<1024xf32>
      %reduce_sum3A_42 = vector.multi_reduction <add>, %mul3A_41, %reduce_sum3A [1] : vector<1024x64xf32> to vector<1024xf32>
      %broadcast_in_dim3A_43 = vector.shape_cast %reduce_sum3A_42 : vector<1024xf32> to vector<1024x1xf32>
      %concatenate3A_44 = tpu.concatenate %get3A_40, %broadcast_in_dim3A_43 in 1 : vector<1024x64xf32>, vector<1024x1xf32> -> vector<1024x65xf32>
      %swap3A_45 = arith.constant 0 : index
      %swap3A_46 = arith.constant 0 : index
      %swap3A_47 = vector.load %arg4[%swap3A_45, %swap3A_46] : memref<1024x65xf32, #tpu.memory_space<vmem>>, vector<1024x65xf32>
      tpu.vector_store %arg4[%swap3A_45, %swap3A_46], %concatenate3A_44 {strides = array<i32>} : memref<1024x65xf32, #tpu.memory_space<vmem>>, vector<1024x65xf32>,
    } else {
    }
    %broadcast_in_dim3A = arith.constant 1.000000e+00 : f32
    %broadcast_in_dim3A_4 = vector.broadcast %broadcast_in_dim3A : f32 to vector<1024x1xf32>
    %mul3A = arith.constant -2.000000e+00 : f32
    %mul3A_5 = vector.broadcast %mul3A : f32 to vector<1024x64xf32>
    %mul3A_6 = arith.mulf %mul3A_5, %get3A_1 : vector<1024x64xf32>
    %concatenate3A = tpu.concatenate %mul3A_6, %broadcast_in_dim3A_4 in 1 : vector<1024x64xf32>, vector<1024x1xf32> -> vector<1024x65xf32>
    %get3A_7 = arith.constant 0 : index
    %get3A_8 = arith.constant 0 : index
    %get3A_9 = vector.load %arg4[%get3A_7, %get3A_8] : memref<1024x65xf32, #tpu.memory_space<vmem>>, vector<1024x65xf32>
    %dot_general3A = arith.constant dense<0.000000e+00> : vector<1024x1024xf32>
    %dot_general3A_10 = tpu.matmul %concatenate3A, %get3A_9, %dot_general3A {dimension_numbers = #tpu.dot_dimension_numbers<[1], [1], [0], [0], [0, 0, 1, 0], [], []>, precision = #tpu.contract_precision<fp32>, transpose_lhs_hint = false} : vector<1024x65xf32>, vector<1024x65xf32>, vector<1024x1024xf32> -> vector<1024x1024xf32>
    %iota3A = tpu.iota {dimensions = array<i32: 1>} : vector<1024x1024xi32>
    %reduce_min3A = arith.constant dense<0x7F800000> : vector<1024xf32>
    %reduce_min3A_11 = vector.multi_reduction <minimumf>, %dot_general3A_10, %reduce_min3A [1] : vector<1024x1024xf32> to vector<1024xf32>
    %broadcast_in_dim3A_12 = vector.shape_cast %reduce_min3A_11 : vector<1024xf32> to vector<1024x1xf32>
    %eq3A_13 = vector.broadcast %broadcast_in_dim3A_12 : vector<1024x1xf32> to vector<1024x1024xf32>
    %eq3A_14 = arith.cmpf oeq, %dot_general3A_10, %eq3A_13 : vector<1024x1024xf32>
    %jit3A = arith.constant 1024 : i32
    %broadcast_in_dim3A_15 = vector.broadcast %jit3A : i32 to vector<1024x1024xi32>
    %select_n3A = arith.select %eq3A_14, %iota3A, %broadcast_in_dim3A_15 : vector<1024x1024xi1>, vector<1024x1024xi32>
    %reduce_min3A_16 = arith.constant dense<2147483647> : vector<1024xi32>
    %reduce_min3A_17 = vector.multi_reduction <minsi>, %select_n3A, %reduce_min3A_16 [1] : vector<1024x1024xi32> to vector<1024xi32>
    %broadcast_in_dim3A_18 = vector.shape_cast %reduce_min3A_17 : vector<1024xi32> to vector<1024x1xi32>
    %eq3A_19 = vector.broadcast %broadcast_in_dim3A_18 : vector<1024x1xi32> to vector<1024x1024xi32>
    %eq3A_20 = arith.cmpi eq, %iota3A, %eq3A_19 : vector<1024x1024xi32>
    %jit3A_21 = arith.constant 0x7F800000 : f32
    %broadcast_in_dim3A_22 = vector.broadcast %jit3A_21 : f32 to vector<1024x1024xf32>
    %select_n3A_23 = arith.select %eq3A_20, %broadcast_in_dim3A_22, %dot_general3A_10 : vector<1024x1024xi1>, vector<1024x1024xf32>
    %reduce_min3A_24 = arith.constant dense<0x7F800000> : vector<1024xf32>
    %reduce_min3A_25 = vector.multi_reduction <minimumf>, %select_n3A_23, %reduce_min3A_24 [1] : vector<1024x1024xf32> to vector<1024xf32>
    %broadcast_in_dim3A_26 = vector.shape_cast %reduce_min3A_25 : vector<1024xf32> to vector<1024x1xf32>
    %eq3A_27 = vector.broadcast %broadcast_in_dim3A_26 : vector<1024x1xf32> to vector<1024x1024xf32>
    %eq3A_28 = arith.cmpf oeq, %select_n3A_23, %eq3A_27 : vector<1024x1024xf32>
    %jit3A_29 = arith.constant 1024 : i32
    %broadcast_in_dim3A_30 = vector.broadcast %jit3A_29 : i32 to vector<1024x1024xi32>
    %select_n3A_31 = arith.select %eq3A_28, %iota3A, %broadcast_in_dim3A_30 : vector<1024x1024xi1>, vector<1024x1024xi32>
    %reduce_min3A_32 = arith.constant dense<2147483647> : vector<1024xi32>
    %reduce_min3A_33 = vector.multi_reduction <minsi>, %select_n3A_31, %reduce_min3A_32 [1] : vector<1024x1024xi32> to vector<1024xi32>
    %broadcast_in_dim3A_34 = vector.shape_cast %reduce_min3A_33 : vector<1024xi32> to vector<1024x1xi32>
    %concatenate3A_35 = tpu.concatenate %broadcast_in_dim3A_18, %broadcast_in_dim3A_34 in 1 : vector<1024x1xi32>, vector<1024x1xi32> -> vector<1024x2xi32>
    %swap3A = arith.constant 0 : index
    %swap3A_36 = arith.constant 0 : index
    %swap3A_37 = vector.load %arg3[%swap3A, %swap3A_36] : memref<1024x2xi32, #tpu.memory_space<vmem>>, vector<1024x2xi32>
    tpu.vector_store %arg3[%swap3A, %swap3A_36], %concatenate3A_35 {strides = array<i32>} : memref<1024x2xi32, #tpu.memory_space<vmem>>, vector<1024x2xi32>,
    return
  }
  func.func @transform_0(%arg0: i32) -> (i32, i32) {
    %c0_i32 = arith.constant 0 : i32
    %c0_i32_0 = arith.constant 0 : i32
    return %arg0, %c0_i32 : i32, i32
  }
  func.func @transform_1(%arg0: i32) -> (i32, i32) {
    %c0_i32 = arith.constant 0 : i32
    %c0_i32_0 = arith.constant 0 : i32
    %c0_i32_1 = arith.constant 0 : i32
    return %c0_i32, %c0_i32_0 : i32, i32
  }
  func.func @transform_2(%arg0: i32) -> (i32, i32) {
    %c0_i32 = arith.constant 0 : i32
    %c0_i32_0 = arith.constant 0 : i32
    return %arg0, %c0_i32 : i32, i32
  }
}

module attributes {stable_mosaic.version = 14 : i64} {
  func.func @_stage2_body(%arg0: i32, %arg1: memref<2048x64xf32, #tpu.memory_space<vmem>>, %arg2: memref<2x2048x64xf32, #tpu.memory_space<vmem>>, %arg3: memref<2048x2xi32, #tpu.memory_space<vmem>>, %arg4: memref<2048x64xf32, #tpu.memory_space<vmem>>) attributes {dimension_semantics = [#tpu.dimension_semantics<arbitrary>], iteration_bounds = array<i64: 1>, scalar_prefetch = 0 : i64, scratch_operands = 0 : i64, tpu.core_type = #tpu.core_type<tc>, window_params = [{transform_indices = @transform_0, window_bounds = array<i64: 2048, 64>}, {transform_indices = @transform_1, window_bounds = array<i64: 2, 2048, 64>}, {transform_indices = @transform_2, window_bounds = array<i64: 2048, 2>}, {transform_indices = @transform_3, window_bounds = array<i64: 2048, 64>}]} {
    %get3A = arith.constant 0 : index
    %get3A_0 = arith.constant 0 : index
    %get3A_1 = vector.load %arg1[%get3A, %get3A_0] : memref<2048x64xf32, #tpu.memory_space<vmem>>, vector<2048x64xf32>
    %get3A_2 = arith.constant 0 : index
    %get3A_3 = arith.constant 0 : index
    %get3A_4 = vector.load %arg3[%get3A_2, %get3A_3] : memref<2048x2xi32, #tpu.memory_space<vmem>>, vector<2048x2xi32>
    %get3A_5 = arith.constant 0 : index
    %get3A_6 = arith.constant 0 : index
    %get3A_7 = arith.constant 0 : index
    %get3A_8 = vector.load %arg2[%get3A_5, %get3A_6, %get3A_7] : memref<2x2048x64xf32, #tpu.memory_space<vmem>>, vector<1x2048x64xf32>
    %get3A_9 = vector.shape_cast %get3A_8 : vector<1x2048x64xf32> to vector<2048x64xf32>
    %sub3A = arith.subf %get3A_1, %get3A_9 : vector<2048x64xf32>
    %mul3A = arith.mulf %sub3A, %sub3A : vector<2048x64xf32>
    %reduce_sum3A = arith.constant dense<0.000000e+00> : vector<2048xf32>
    %reduce_sum3A_10 = vector.multi_reduction <add>, %mul3A, %reduce_sum3A [1] : vector<2048x64xf32> to vector<2048xf32>
    %broadcast_in_dim3A = vector.shape_cast %reduce_sum3A_10 : vector<2048xf32> to vector<2048x1xf32>
    %sqrt3A = math.sqrt %broadcast_in_dim3A : vector<2048x1xf32>
    %get3A_11 = arith.constant 1 : index
    %get3A_12 = arith.constant 0 : index
    %get3A_13 = arith.constant 0 : index
    %get3A_14 = vector.load %arg2[%get3A_11, %get3A_12, %get3A_13] : memref<2x2048x64xf32, #tpu.memory_space<vmem>>, vector<1x2048x64xf32>
    %get3A_15 = vector.shape_cast %get3A_14 : vector<1x2048x64xf32> to vector<2048x64xf32>
    %sub3A_16 = arith.subf %get3A_1, %get3A_15 : vector<2048x64xf32>
    %mul3A_17 = arith.mulf %sub3A_16, %sub3A_16 : vector<2048x64xf32>
    %reduce_sum3A_18 = arith.constant dense<0.000000e+00> : vector<2048xf32>
    %reduce_sum3A_19 = vector.multi_reduction <add>, %mul3A_17, %reduce_sum3A_18 [1] : vector<2048x64xf32> to vector<2048xf32>
    %broadcast_in_dim3A_20 = vector.shape_cast %reduce_sum3A_19 : vector<2048xf32> to vector<2048x1xf32>
    %sqrt3A_21 = math.sqrt %broadcast_in_dim3A_20 : vector<2048x1xf32>
    %concatenate3A = tpu.concatenate %sqrt3A, %sqrt3A_21 in 1 : vector<2048x1xf32>, vector<2048x1xf32> -> vector<2048x2xf32>
    %reduce_min3A = arith.constant dense<0x7F800000> : vector<2048xf32>
    %reduce_min3A_22 = vector.multi_reduction <minimumf>, %concatenate3A, %reduce_min3A [1] : vector<2048x2xf32> to vector<2048xf32>
    %broadcast_in_dim3A_23 = vector.shape_cast %reduce_min3A_22 : vector<2048xf32> to vector<2048x1xf32>
    %eq3A = vector.broadcast %broadcast_in_dim3A_23 : vector<2048x1xf32> to vector<2048x2xf32>
    %eq3A_24 = arith.cmpf oeq, %concatenate3A, %eq3A : vector<2048x2xf32>
    %jit3A = arith.constant 1048576 : i32
    %broadcast_in_dim3A_25 = vector.broadcast %jit3A : i32 to vector<2048x2xi32>
    %select_n3A = arith.select %eq3A_24, %get3A_4, %broadcast_in_dim3A_25 : vector<2048x2xi1>, vector<2048x2xi32>
    %reduce_min3A_26 = arith.constant dense<2147483647> : vector<2048xi32>
    %reduce_min3A_27 = vector.multi_reduction <minsi>, %select_n3A, %reduce_min3A_26 [1] : vector<2048x2xi32> to vector<2048xi32>
    %broadcast_in_dim3A_28 = vector.shape_cast %reduce_min3A_27 : vector<2048xi32> to vector<2048x1xi32>
    %broadcast_in_dim3A_29 = arith.constant 0.000000e+00 : f32
    %broadcast_in_dim3A_30 = vector.broadcast %broadcast_in_dim3A_29 : f32 to vector<2048x64xf32>
    %slice3A = vector.extract_strided_slice %get3A_4 {offsets = [0, 0], sizes = [2048, 1], strides = [1, 1]} : vector<2048x2xi32> to vector<2048x1xi32>
    %eq3A_31 = arith.cmpi eq, %slice3A, %broadcast_in_dim3A_28 : vector<2048x1xi32>
    %jit3A_32 = arith.constant 0.000000e+00 : f32
    %broadcast_in_dim3A_33 = vector.shape_cast %eq3A_31 : vector<2048x1xi1> to vector<2048x1xi1>
    %broadcast_in_dim3A_34 = vector.broadcast %broadcast_in_dim3A_33 : vector<2048x1xi1> to vector<2048x64xi1>
    %broadcast_in_dim3A_35 = vector.broadcast %jit3A_32 : f32 to vector<2048x64xf32>
    %select_n3A_36 = arith.select %broadcast_in_dim3A_34, %get3A_9, %broadcast_in_dim3A_35 : vector<2048x64xi1>, vector<2048x64xf32>
    %add3A = arith.addf %broadcast_in_dim3A_30, %select_n3A_36 : vector<2048x64xf32>
    %slice3A_37 = vector.extract_strided_slice %get3A_4 {offsets = [0, 1], sizes = [2048, 1], strides = [1, 1]} : vector<2048x2xi32> to vector<2048x1xi32>
    %eq3A_38 = arith.cmpi eq, %slice3A_37, %broadcast_in_dim3A_28 : vector<2048x1xi32>
    %jit3A_39 = arith.constant 0.000000e+00 : f32
    %broadcast_in_dim3A_40 = vector.shape_cast %eq3A_38 : vector<2048x1xi1> to vector<2048x1xi1>
    %broadcast_in_dim3A_41 = vector.broadcast %broadcast_in_dim3A_40 : vector<2048x1xi1> to vector<2048x64xi1>
    %broadcast_in_dim3A_42 = vector.broadcast %jit3A_39 : f32 to vector<2048x64xf32>
    %select_n3A_43 = arith.select %broadcast_in_dim3A_41, %get3A_15, %broadcast_in_dim3A_42 : vector<2048x64xi1>, vector<2048x64xf32>
    %add3A_44 = arith.addf %add3A, %select_n3A_43 : vector<2048x64xf32>
    %add3A_45 = arith.addf %get3A_1, %add3A_44 : vector<2048x64xf32>
    %sub3A_46 = arith.subf %add3A_45, %get3A_1 : vector<2048x64xf32>
    %swap3A = arith.constant 0 : index
    %swap3A_47 = arith.constant 0 : index
    %swap3A_48 = vector.load %arg4[%swap3A, %swap3A_47] : memref<2048x64xf32, #tpu.memory_space<vmem>>, vector<2048x64xf32>
    tpu.vector_store %arg4[%swap3A, %swap3A_47], %sub3A_46 {strides = array<i32>} : memref<2048x64xf32, #tpu.memory_space<vmem>>, vector<2048x64xf32>,
    return
  }
  func.func @transform_0(%arg0: i32) -> (i32, i32) {
    %c0_i32 = arith.constant 0 : i32
    %c0_i32_0 = arith.constant 0 : i32
    return %arg0, %c0_i32 : i32, i32
  }
  func.func @transform_1(%arg0: i32) -> (i32, i32, i32) {
    %c0_i32 = arith.constant 0 : i32
    %c0_i32_0 = arith.constant 0 : i32
    %c0_i32_1 = arith.constant 0 : i32
    return %c0_i32, %arg0, %c0_i32_0 : i32, i32, i32
  }
  func.func @transform_2(%arg0: i32) -> (i32, i32) {
    %c0_i32 = arith.constant 0 : i32
    %c0_i32_0 = arith.constant 0 : i32
    return %arg0, %c0_i32 : i32, i32
  }
  func.func @transform_3(%arg0: i32) -> (i32, i32) {
    %c0_i32 = arith.constant 0 : i32
    %c0_i32_0 = arith.constant 0 : i32
    return %arg0, %c0_i32 : i32, i32
  }
}

</mosaic_0001>

<sc_bundles>
// kernel: kernel.5.cloned.1.call-start
scs
__scs_entry_jumppad:
0x0: {  	(pc) =	sbr.rel $0x88, $3  }
0x1: {  	(tag) =	ssettag $0x0;
	lr =	simm.s32 $0x1  }
0x2: {  	[smem:$0x3F9F] =	sst lr;
	_ =	strace $0xD0000000  }
0x3: {  	_ = 	snop  }
0x4: {  	_ = 	snop  }
0x5: {  	_ = 	snop  }
0x6: {  	_ = 	snop  }
0x7: {  	_ = 	snop  }
__scs_overlays_trampoline_lowered:
0x8: {  	[smem:$0x3FAE] =	sst s0  }
0x9: {  	[smem:$0x3FAF] =	sst s1  }
0xa: {  	[smem:$0x3FB0] =	sst s2  }
0xb: {  	[smem:$0x3FB1] =	sst s3  }
0xc: {  	[smem:$0x3FB2] =	sst s4  }
0xd: {  	[smem:$0x3FB3] =	sst s5  }
0xe: {  	[smem:$0x3FB4] =	sst s6  }
0xf: {  	[smem:$0x3FB5] =	sst s7  }
0x10: {  	[smem:$0x3FB6] =	sst s8  }
0x11: {  	[smem:$0x3FB7] =	sst s9;
	s0 =	simm.s32 @!p0 $0x0  }
0x12: {  	s1 =	sld [smem:$0x3F9D];
	s0 =	simm.s32 @p0 $0x1  }
0x13: {  	[smem:$0x3FB8] =	sst s0;
	s0 =	simm.s32 @!p1 $0x0  }
0x14: {  	s2 =	sld [smem:$0x3F9C];
	s0 =	simm.s32 @p1 $0x1  }
0x15: {  	[smem:$0x3FB9] =	sst s0;
	s0 =	simm.s32 @!p2 $0x0  }
0x16: {  	s3 =	sld [smem:$0x3FDB];
	s0 =	simm.s32 @p2 $0x1  }
0x17: {  	s4 =	simm.s32 $0x1BF5;
	[smem:$0x3FBB] =	sst s0  }
0x18: {  	s0 =	sld [smem:$0x3F9E];
	_ =	swait.ge [sflag:s4], $0x0  }
0x19: {  	s7 =	sld [smem:$0x3F9F]  }
0x1a: {  	s8 =	sadd.s32 $0xFFFFE003, lr  }
0x1b: {  	s9 =	sadd.s32 $0xFFFFFEF7, lr;
	s5 =	simm.s32 $0xFFFFFFFF;
	p2 =	slt.u32 s8, $0xFFFFF086  }
0x1c: {  	p1 =	slt.u32 s9, $0xF7A;
	s5 =	simm.s32 @!p2 $0x0  }
0x1d: {  	s5 =	simm.s32 @p1 $0x1;
	p0 =	seq.s32 s7, s2  }
0x1e: {  	s7 =	smul.u32 @!p0 $0xF7A, s2;
	p2 =	seq.s32 @!p0 s5, $0x0  }
0x1f: {  	s9 =	smul.u32 $0xF7A, s1;
	s8 =	simm.s32 @!p0 $0x1BF5;
	p2 =	por !p2, p0  }
0x20: {  	[sflag:s8] =	ssyncset.s32 @!p0 $0xFFFFF086;
	s6 =	sadd.s32 @!p0 s3, s7;
	s7 =	simm.s32 @!p0 $0x108  }
0x21: {  	s3 =	sadd.s32 s3, s9;
	s6 =	sadd.s32 @!p0 $0x88, s6;
	s7 =	simm.s32 @p2 $0x1082  }
0x22: {  	[simem:s7], [sflag:s8] =	dma.local @!p0 [hbm:s6], $0xF7A  }
0x23: {  	s9 =	sor.u32 $0xD0000000, s2;
	s6 =	simm.s32 $0x108;
	_ =	swait.ge @!p0 [sflag:s8], $0x0  }
0x24: {  	s3 =	sadd.s32 $0x88, s3;
	s6 =	simm.s32 @!p1 $0x1082;
	[sflag:s4] =	ssyncset.s32 $0xFFFFF086  }
0x25: {  	[simem:s6], [sflag:s4] =	dma.local [hbm:s3], $0xF7A  }
0x26: {  	[smem:$0x3F9F] =	sst s1;
	(tag) =	ssettag s2;
	_ =	strace s9  }
0x27: {  	s1 =	sld [smem:$0x3FAF]  }
0x28: {  	s2 =	sld [smem:$0x3FB0]  }
0x29: {  	s4 =	sld [smem:$0x3FB2]  }
0x2a: {  	p0 =	seq.s32 s5, $0x0;
	s5 =	sld [smem:$0x3FB3]  }
0x2b: {  	s6 =	sld [smem:$0x3FB4]  }
0x2c: {  	s7 =	sld [smem:$0x3FB5]  }
0x2d: {  	s3 =	simm.s32 $0x108;
	s8 =	sld [smem:$0x3FB6]  }
0x2e: {  	s3 =	simm.s32 @!p0 $0x1082;
	s9 =	sld [smem:$0x3FB7]  }
0x2f: {  	lr =	sadd.s32 s0, s3;
	s0 =	sld [smem:$0x3FAE]  }
0x30: {  	s3 =	sld [smem:$0x3FB1]  }
0x31: {  	[smem:$0x3FBA] =	sst s10  }
0x32: {  	s10 =	sld [smem:$0x3FB8];
	_ =	sdelay $0x3  }
0x33: {  	p0 =	seq.s32 s10, $0x1;
	s10 =	sld [smem:$0x3FBA];
	_ =	sdelay $0x3  }
0x34: {  	[smem:$0x3FBA] =	sst s10  }
0x35: {  	s10 =	sld [smem:$0x3FB9];
	_ =	sdelay $0x3  }
0x36: {  	p1 =	seq.s32 s10, $0x1;
	s10 =	sld [smem:$0x3FBA];
	_ =	sdelay $0x3  }
0x37: {  	[smem:$0x3FBA] =	sst s10  }
0x38: {  	s10 =	sld [smem:$0x3FBB]  }
0x39: {  	_ = 	snop;
	(pc) =	sbr.ind lr, $3  }
0x3a: {  	_ = 	snop  }
0x3b: {  	_ = 	snop  }
0x3c: {  	p2 =	seq.s32 s10, $0x1;
	s10 =	sld [smem:$0x3FBA]  }
0x3d: {  	_ =	shalt  }
0x3e: {  	_ =	shalt  }
0x3f: {  	_ =	shalt  }
0x40: {  	_ =	shalt  }
0x41: {  	_ =	shalt  }
0x42: {  	_ =	shalt  }
0x43: {  	_ =	shalt  }
0x44: {  	_ =	shalt  }
0x45: {  	_ =	shalt  }
0x46: {  	_ =	shalt  }
0x47: {  	_ =	shalt  }
0x48: {  	_ =	shalt  }
0x49: {  	_ =	shalt  }
0x4a: {  	_ =	shalt  }
0x4b: {  	_ =	shalt  }
0x4c: {  	_ =	shalt  }
0x4d: {  	_ =	shalt  }
0x4e: {  	_ =	shalt  }
0x4f: {  	_ =	shalt  }
0x50: {  	_ =	shalt  }
0x51: {  	_ =	shalt  }
0x52: {  	_ =	shalt  }
0x53: {  	_ =	shalt  }
0x54: {  	_ =	shalt  }
0x55: {  	_ =	shalt  }
0x56: {  	_ =	shalt  }
0x57: {  	_ =	shalt  }
0x58: {  	_ =	shalt  }
0x59: {  	_ =	shalt  }
0x5a: {  	_ =	shalt  }
0x5b: {  	_ =	shalt  }
0x5c: {  	_ =	shalt  }
0x5d: {  	_ =	shalt  }
0x5e: {  	_ =	shalt  }
0x5f: {  	_ =	shalt  }
0x60: {  	_ =	shalt  }
0x61: {  	_ =	shalt  }
0x62: {  	_ =	shalt  }
0x63: {  	_ =	shalt  }
0x64: {  	_ =	shalt  }
0x65: {  	_ =	shalt  }
0x66: {  	_ =	shalt  }
0x67: {  	_ =	shalt  }
0x68: {  	_ =	shalt  }
0x69: {  	_ =	shalt  }
0x6a: {  	_ =	shalt  }
0x6b: {  	_ =	shalt  }
0x6c: {  	_ =	shalt  }
0x6d: {  	_ =	shalt  }
0x6e: {  	_ =	shalt  }
0x6f: {  	_ =	shalt  }
0x70: {  	_ =	shalt  }
0x71: {  	_ =	shalt  }
0x72: {  	_ =	shalt  }
0x73: {  	_ =	shalt  }
0x74: {  	_ =	shalt  }
0x75: {  	_ =	shalt  }
0x76: {  	_ =	shalt  }
0x77: {  	_ =	shalt  }
0x78: {  	_ =	shalt  }
0x79: {  	_ =	shalt  }
0x7a: {  	_ =	shalt  }
0x7b: {  	_ =	shalt  }
0x7c: {  	_ =	shalt  }
0x7d: {  	_ =	shalt  }
0x7e: {  	_ =	shalt  }
0x7f: {  	_ =	shalt  }
0x80: {  	_ =	shalt  }
0x81: {  	_ =	shalt  }
0x82: {  	_ =	shalt  }
0x83: {  	_ =	shalt  }
0x84: {  	_ =	shalt  }
0x85: {  	_ =	shalt  }
0x86: {  	_ =	shalt  }
0x87: {  	_ =	shalt  }
.Lfunc_end0:
.L_simem_size_0:
called_computation_lowered:
.L_overlay_start_0:
0x88: {  	s2 =	sld [smem:$0x3FD9]  }
0x89: {  	s3 =	sld [smem:$0x3FFE];
	_ =	sdelay $0x1  }
0x8a: {  	s1 =	srdreg.scid  }
0x8b: {  	s0 =	sand.u32 $0x1, s1  }
0x8c: {  	s17 =	sshll.u32 s0, $0xA;
	s2 =	sadd.s32 s3, s2  }
0x8d: {  	s2 =	sadd.s32 s2, s17  }
0x8e: {  	[smem:$0x3FC6] =	sst s2  }
0x8f: {  	_ = 	snop  }
0x90: {  	s2 =	sld [smem:$0x3FD0];
	(tm) =	ssettm $0x1  }
0x91: {  	s18 =	sld [smem:$0x3FFB];
	_ =	sdelay $0x3  }
0x92: {  	_ =	strace s18  }
0x93: {  	s3 =	sld [smem:$0x3FFC];
	_ =	sdelay $0x3  }
0x94: {  	_ =	strace s3  }
0x95: {  	s3 =	sld [smem:$0x3FFD];
	_ =	sdelay $0x3  }
0x96: {  	_ =	strace s3  }
0x97: {  	_ =	strace $0x8FFFFFFF  }
0x98: {  	s19 =	sld [smem:$0x3FDB];
	_ =	sdelay $0x1  }
0x99: {  	s4 =	simm.s32 $_scs_section_size  }
0x9a: {  	s5 =	simm.s32 $_size__tile_overlayer_lowered;
	s6 =	simm.s32 $_tile_overlayer_lowered  }
0x9b: {  	s22 =	simm.s32 $0x1BFF;
	s21 =	sshll.u32 s6, $0x1;
	s3 =	sadd.s32 s4, s19  }
0x9c: {  	s7 =	simm.s32 $0x0;
	s20 =	sshll.u32 s5, $0x1;
	s5 =	sadd.s32 s21, s3  }
0x9d: {  	[timem:s7], [sflag:s22] =	dma.local [hbm:s5], s20  }
0x9e: {  	_ =	swait.ge [sflag:s22], s20  }
0x9f: {  	s4 =	ssub.s32 $0x0, s20;
	[sflag:s22] =	ssyncset.done $0x0  }
0xa0: {  	[sflag:s22] =	ssyncadd.s32 s4;
	_ =	sdelay $0x1  }
0xa1: {  	s23 =	simm.s32 $0x1B8B  }
0xa2: {  	_ =	swait.ge [sflag:s23], $0x1  }
0xa3: {  	[sflag:s23] =	ssyncset.done $0x0  }
0xa4: {  	s25 =	simm.s32 $0x1B8E;
	s24 =	sld [smem:$0x3FFE];
	[sflag:s23] =	ssyncadd.s32 $0xFFFFFFFF  }
0xa5: {  	s26 =	simm.s32 $execute0_lowered;
	[smem:$0x3FD2] =	sst s25  }
0xa6: {  	s5 =	sshll.u32 s26, $0x1;
	_ =	strace $0x80000046;
	[dreg:$0x1] =	wrdreg $0xFFFFFFFF  }
0xa7: {  	s28 =	simm.s32 $_size_execute0_lowered;
	s3 =	sadd.s32 s3, s5;
	[dreg:$0x0] =	wrdreg $0x0  }
0xa8: {  	s5 =	sshll.u32 s28, $0x1;
	[dreg:$0x2] =	wrdreg s3  }
0xa9: {  	[dreg:$0x3] =	wrdreg s5  }
0xaa: {  	[dreg:$0x4] =	wrdreg $0xC0  }
0xab: {  	_ =	task [dreg:s7], $0x5FFFF  }
0xac: {  	[dreg:$0x1] =	wrdreg $0xFFFFFFFF  }
0xad: {  	[dreg:$0x0] =	wrdreg $0x60  }
0xae: {  	[dreg:$0x2] =	wrdreg s2  }
0xaf: {  	[dreg:$0x3] =	wrdreg s24  }
0xb0: {  	[dreg:$0x4] =	wrdreg $0x9  }
0xb1: {  	_ =	task.clear_ibuf [dreg:s7], $0x5FFFF;
	_ =	strace $0x90000046  }
0xb2: {  	s29 =	simm.s32 $0x9;
	_ =	strace $0x80000048  }
0xb3: {  	_ =	swait.ge [sflag:s29], $0x1  }
0xb4: {  	[sflag:s29] =	ssyncadd.s32 $0xFFFFFFFF  }
0xb5: {  	_ =	strace $0x90000048  }
0xb6: {  	_ =	sfence  }
0xb7: {  	s30 =	sld [smem:$0x0];
	_ =	sdelay $0x2  }
0xb8: {  	s31 =	sshll.u32 s1, $0xD;
	s1 =	sshrl.u32 s1, $0x2  }
0xb9: {  	s3 =	sand.u32 $0x4000, s31;
	s1 =	sadd.s32 s1, s30  }
0xba: {  	s0 =	sor.u32 s3, s0;
	s1 =	sshll.u32 s1, $0x11  }
0xbb: {  	s0 =	sor.u32 s1, s0  }
0xbc: {  	s0 =	sadd.s32 $0x8F2B, s0  }
0xbd: {  	[sflag:s0] =	ssyncadd.remote.s32 $0x1  }
0xbe: {  	_ =	sfence.sel $0xFFFF  }
0xbf: {  	[dreg:$0x0] =	wrdreg $0xFFFFFFFF;
	(pc) =	sbr.abs _section_cstart, $3  }
0xc0: {  	[dreg:$0x1] =	wrdreg $0xFFFFFFFF  }
0xc1: {  	_ =	task.clear_ibuf [dreg:s7], $0x2FFFF;
	_ =	strace $0x9FFFFFFF  }
0xc2: {  	(tm) =	ssettm $0x7FFFFFFF  }
0xc3: {  	_ =	shalt  }
tec
execute0_lowered:
.L_overlay_start_1:
0x0: {  	(tag) =	ssettag $0x1  }
0x1: {  	s1 =	srdreg.scid  }
0x2: {  	s0 =	stileid.u32;
	s6 =	sand.u32 $0x1, s1  }
0x3: {  	s2 =	rddreg [dreg:$0x0];
	s30 =	sshll.u32 s0, $0x8;
	s3 =	sshll.u32 s6, $0x7  }
0x4: {  	s8 =	rddreg [dreg:$0x1];
	s7 =	simm.s32 $0x1;
	s9 =	sor.u32 s3, s30  }
0x5: {  	s1 =	rddreg [dreg:$0x2];
	s3 =	simm.s32 $0x0;
	s4 =	sshrl.u32 s9, $0x3  }
0x6: {  	s10 =	ssub.s32 $0x2, s6;
	[smem:$0x7FF] =	sst s3;
	s4 =	sadd.s32 s4, s8  }
0x7: {  	_ =	strace $0x80000047;
	s5 =	sadd.s32 $0x400, s4;
	s4 =	simm.s32 $0x2  }
0x8: {  	[tilespmem:s3], [sflag:$0x2] =	stream.linear.gather [hbm4b:s5+s3], $0x80, $0x38;
	[tilespmem:$0x2080] =	vst v63  }
0x9: {  	s6 =	simm.s32 $0x80;
	s11 =	sshrl.u32 s10, $0x1;
	_ =	swait.ge [sflag:s4], $0x80  }
0xa: {  	s9 =	sshll.u32 s9, $0x3;
	s31 =	ssub.s32 s10, s11;
	[sflag:s4] =	ssyncset.done $0x0  }
0xb: {  	s8 =	sadd.s32 s9, s8;
	s9 =	smax.u32 s31, $0x1;
	[sflag:s4] =	ssyncadd.s32 $0xFFFFFF80  }
0xc: {  	[tilespmem:s6], [sflag:$0x1] =	stream.indirect.gather [hbm4b:s2+s6], $0x40, s3, s6, $0xb8;
	[tilespmem:$0x2080] =	vst v63  }
0xd: {  	p0 =	sne.s32 s9, $0x1;
	_ =	swait.ge [sflag:s7], $0x2000  }
.Ltmp0:
0xe: {  	[sflag:s7] =	ssyncset.done $0x0;
	(pc) =	sbr.rel @!p0 .LBB2_2-.Ltmp0, $4  }
0xf: {  	s8 =	sadd.s32 $0x600, s8;
	[sflag:s7] =	ssyncadd.s32 $0xFFFFE000  }
0x10: {  	[hbm4b:s8+s3] =	stream.linear.scatter [tilespmem:s6], [sflag:$0x2], $0x2000, $0x38;
	[tilespmem:$0x2080] =	vst v63  }
0x11: {  	_ =	swait.ge [sflag:s4], $0x2000  }
0x12: {  	s9 =	sadd.s32 $0xFFFFFFFF, s9;
	[sflag:s4] =	ssyncset.done $0x0  }
.LBB2_1:
0x13: {  	p0 =	sne.s32 s9, $0x1;
	s9 =	sadd.s32 $0xFFFFFFFF, s9;
	[sflag:s4] =	ssyncadd.s32 $0xFFFFE000  }
0x14: {  	[tilespmem:s3], [sflag:$0x2] =	stream.linear.gather [hbm4b:s5+s3], $0x80, $0x38;
	[tilespmem:$0x2080] =	vst v63  }
0x15: {  	_ =	swait.ge [sflag:s4], $0x80  }
0x16: {  	[sflag:s4] =	ssyncset.done $0x0  }
0x17: {  	[sflag:s4] =	ssyncadd.s32 $0xFFFFFF80  }
0x18: {  	[tilespmem:s6], [sflag:$0x1] =	stream.indirect.gather [hbm4b:s2+s6], $0x40, s3, s6, $0xb8;
	[tilespmem:$0x2080] =	vst v63  }
0x19: {  	_ =	swait.ge [sflag:s7], $0x2000  }
.Ltmp1:
0x1a: {  	[sflag:s7] =	ssyncset.done $0x0;
	(pc) =	sbr.rel @p0 .LBB2_1-.Ltmp1, $4  }
0x1b: {  	[sflag:s7] =	ssyncadd.s32 $0xFFFFE000  }
0x1c: {  	[hbm4b:s8+s3] =	stream.linear.scatter [tilespmem:s6], [sflag:$0x2], $0x2000, $0x38;
	[tilespmem:$0x2080] =	vst v63  }
0x1d: {  	_ =	swait.ge [sflag:s4], $0x2000  }
0x1e: {  	[sflag:s4] =	ssyncset.done $0x0  }
.LBB2_2:
0x1f: {  	[sflag:s4] =	ssyncadd.s32 $0xFFFFE000  }
0x20: {  	_ =	sfence.sel $0x180000  }
0x21: {  	[bflag:$0x0] =	sbarrier.arrive $0xFFFF  }
0x22: {  	p0 =	sne.s32 s0, $0x0;
	_ =	strace $0x90000047  }
0x23: {  	s0 =	sadd.s32 @!p0 $0x100000, s1;
	[bflag:$0x2] =	sbarrier.arrive $0xFFFF  }
0x24: {  	[sflag:s0] =	ssyncadd.tile.s32 @!p0 $0x1;
	_ =	shalt  }
.Lfunc_end2:
_tile_overlayer_lowered:
.L_overlay_start_2:
0x25: {  	(tag) =	ssettag $0x2  }
0x26: {  	s0 =	rddreg [dreg:$0x0];
	s2 =	stileid.u32  }
0x27: {  	s1 =	rddreg [dreg:$0x1];
	p0 =	sne.s32 s2, $0x0  }
0x28: {  	s3 =	rddreg [dreg:$0x2];
	[bflag:$0x3] =	sbarrier.arrive $0xFFFF;
	s2 =	simm.s32 @!p0 $0x1C02  }
0x29: {  	[timem:s3], [sflag:s2] =	dma.local @!p0 [hbm:s0], s1  }
0x2a: {  	s0 =	simm.s32 @!p0 $0x2  }
0x2b: {  	_ =	swait.ge @!p0 [sflag:s0], s1  }
0x2c: {  	s1 =	ssub.s32 @!p0 $0x0, s1;
	[sflag:s0] =	ssyncset.done @!p0 $0x0  }
0x2d: {  	[sflag:s0] =	ssyncadd.s32 @!p0 s1  }
0x2e: {  	[bflag:$0x3] =	sbarrier.arrive $0xFFFF  }
0x2f: {  	_ =	shalt  }

</sc_bundles>
